<compile_context>
chip_gen: v7x
topology: tpu7x:2x2x1
jax: 0.10.2.dev20260603
libtpu: 0.0.44.dev20260713+nightly
codegen_flags: <defaults>
</compile_context>

<pallas_src>
import jax
import jax.numpy as jnp
from jax import lax
from jax.experimental import pallas as pl
from jax.experimental.pallas import tpu as pltpu
from jax.experimental.pallas import tpu_sc as plsc

NUM_EXPERTS = 8
TOPK = 2

_NC = 2
_NS = 16
_LANES = 16
_NW = _NC * _NS

_TOKEN_BLOCK = 2048


def _scores_body(x_ref, w_ref, b_ref, out_ref):
    s = lax.dot_general(
        x_ref[...], w_ref[...], (((1,), (1,)), ((), ())),
        preferred_element_type=jnp.float32,
    )
    st = s.T + b_ref[...]
    m = jnp.max(st, axis=0, keepdims=True)
    e2 = jnp.exp(st - m)
    d = jnp.sum(e2, axis=0, keepdims=True)
    out_ref[...] = e2 / d


def _compute_scores_t(x, w, b):
    n, d = x.shape
    e = w.shape[0]
    grid = (n // _TOKEN_BLOCK,)
    return pl.pallas_call(
        _scores_body,
        grid=grid,
        in_specs=[
            pl.BlockSpec((_TOKEN_BLOCK, d), lambda i: (i, 0)),
            pl.BlockSpec((e, d), lambda i: (0, 0)),
            pl.BlockSpec((e, 1), lambda i: (0, 0)),
        ],
        out_specs=pl.BlockSpec((e, _TOKEN_BLOCK), lambda i: (0, i)),
        out_shape=jax.ShapeDtypeStruct((e, n), jnp.float32),
    )(x, w, b.reshape(e, 1))


def _route_body(probs_hbm, p_hbm, i_hbm, s_v, p_v, i_v):
    chunk = s_v.shape[1]
    wid = lax.axis_index("s") * _NC + lax.axis_index("c")
    base = wid * chunk
    pltpu.sync_copy(probs_hbm.at[:, pl.ds(base, chunk)], s_v)

    def step(t, carry):
        off = t * _LANES
        ps = [s_v[j, pl.ds(off, _LANES)] for j in range(NUM_EXPERTS)]
        p1 = ps[0]
        i1 = jnp.zeros((_LANES,), jnp.int32)
        for j in range(1, NUM_EXPERTS):
            better = ps[j] > p1
            p1 = jnp.where(better, ps[j], p1)
            i1 = jnp.where(better, jnp.int32(j), i1)
        neg = jnp.full((_LANES,), -1.0, jnp.float32)
        p2 = jnp.where(i1 == 0, neg, ps[0])
        i2 = jnp.zeros((_LANES,), jnp.int32)
        for j in range(1, NUM_EXPERTS):
            cand = jnp.where(i1 == jnp.int32(j), neg, ps[j])
            better = cand > p2
            p2 = jnp.where(better, cand, p2)
            i2 = jnp.where(better, jnp.int32(j), i2)
        p_v[0, pl.ds(off, _LANES)] = p1
        p_v[1, pl.ds(off, _LANES)] = p2
        i_v[0, pl.ds(off, _LANES)] = i1
        i_v[1, pl.ds(off, _LANES)] = i2
        return carry

    lax.fori_loop(0, chunk // _LANES, step, 0)
    pltpu.sync_copy(p_v, p_hbm.at[:, pl.ds(base, chunk)])
    pltpu.sync_copy(i_v, i_hbm.at[:, pl.ds(base, chunk)])


def _route(scores_t):
    e, n = scores_t.shape
    chunk = n // _NW
    mesh = plsc.VectorSubcoreMesh(
        core_axis_name="c", subcore_axis_name="s",
        num_cores=_NC, num_subcores=_NS,
    )
    run = pl.kernel(
        _route_body,
        out_type=[
            jax.ShapeDtypeStruct((TOPK, n), jnp.float32),
            jax.ShapeDtypeStruct((TOPK, n), jnp.int32),
        ],
        mesh=mesh,
        scratch_types=[
            pltpu.VMEM((e, chunk), jnp.float32),
            pltpu.VMEM((TOPK, chunk), jnp.float32),
            pltpu.VMEM((TOPK, chunk), jnp.int32),
        ],
    )
    return run(scores_t)


def kernel(x_local, W, b):
    scores_t = _compute_scores_t(x_local, W, b)
    p_t, i_t = _route(scores_t)
    return (p_t.T, i_t.T)

# --- scband reference (transcript-rebuilt; emitter-appended) ---
"""Pipeline reference for scband-gate-network-68659347194410 (READ-ONLY COPY).

The authoritative reference and input builder live on the scoring server;
editing this copy changes nothing except your own understanding.
"""

import jax, jax.numpy as jnp
import numpy as np

TOP_K = 2

def setup_inputs(seed: int = 0) -> dict:
    key = jax.random.key(seed)
    k1, k2, k3 = jax.random.split(key, 3)
    x_local = jax.random.normal(k1, (32768, 1024), dtype=jnp.float32)
    # nn.Linear(dim=1024, num_experts=8): weight [8, 1024], bias [8]
    bound = 1.0 / np.sqrt(1024.0)
    W = jax.random.uniform(k2, (8, 1024), dtype=jnp.float32, minval=-bound, maxval=bound)
    b = jax.random.uniform(k3, (8,), dtype=jnp.float32, minval=-bound, maxval=bound)
    return {"x_local": x_local, "W": W, "b": b}

def reference(x_local, W, b):
    batch_size = x_local.shape[0]
    x_flat = x_local.reshape(batch_size, -1)
    scores = x_flat @ W.T + b
    probs = jax.nn.softmax(scores, axis=-1)
    max_probs, top_k_indices = jax.lax.top_k(probs, TOP_K)
    return (max_probs, top_k_indices)

if __name__ == "__main__":
    import jax
    _d = setup_inputs()
    print(jax.jit(kernel)(*tuple(_d.values())))

</pallas_src>

<mosaic_0001>
#map = affine_map<(d0, d1) -> (0, 0)>
module attributes {stable_mosaic.version = 14 : i64} {
  func.func @_route_body(%arg0: i32, %arg1: i32, %arg2: memref<8x32768xf32, #tpu.memory_space<hbm>>, %arg3: memref<2x32768xf32, #tpu.memory_space<hbm>>, %arg4: memref<2x32768xi32, #tpu.memory_space<hbm>>, %arg5: memref<8x1024xf32, #tpu.memory_space<vmem>>, %arg6: memref<2x1024xf32, #tpu.memory_space<vmem>>, %arg7: memref<2x1024xi32, #tpu.memory_space<vmem>>) attributes {dimension_semantics = [#tpu.dimension_semantics<core_parallel>, #tpu.dimension_semantics<subcore_parallel>], iteration_bounds = array<i64: 2, 16>, scalar_prefetch = 0 : i64, scratch_operands = 3 : i64, tpu.core_type = #tpu.core_type<sc_vector_subcore>, window_params = [{transform_indices = #map}, {transform_indices = #map}, {transform_indices = #map}]} {
    %mul3A = arith.constant 2 : i32
    %mul3A_0 = arith.muli %arg1, %mul3A : i32
    %add3A = arith.addi %mul3A_0, %arg0 : i32
    %mul3A_1 = arith.constant 1024 : i32
    %mul3A_2 = arith.muli %add3A, %mul3A_1 : i32
    "tpu.region"() ({
      %run_scoped3A = tpu.sem_alloc : memref<!tpu.dma_semaphore, #tpu.memory_space<semaphore_mem>>
      %dma_start3A = arith.constant 0 : i32
      %dma_start3A_8 = tpu.memref_slice %arg2[%dma_start3A, %mul3A_2] : memref<8x32768xf32, #tpu.memory_space<hbm>> -> memref<8x1024xf32, #tpu.memory_space<hbm>>
      %dma_start3A_9 = arith.constant 0 : i32
      %dma_start3A_10 = tpu.memref_slice %arg2[%dma_start3A_9, %mul3A_2] : memref<8x32768xf32, #tpu.memory_space<hbm>> -> memref<8x1024xf32, #tpu.memory_space<hbm>>
      tpu.enqueue_dma source(%dma_start3A_10 : memref<8x1024xf32, #tpu.memory_space<hbm>>) target(%arg5 : memref<8x1024xf32, #tpu.memory_space<vmem>>) target_semaphore(%run_scoped3A : memref<!tpu.dma_semaphore, #tpu.memory_space<semaphore_mem>>)
      %dma_wait3A = arith.constant 0 : i32
      %dma_wait3A_11 = tpu.memref_slice %arg2[%dma_wait3A, %mul3A_2] : memref<8x32768xf32, #tpu.memory_space<hbm>> -> memref<8x1024xf32, #tpu.memory_space<hbm>>
      %dma_wait3A_12 = arith.constant 0 : i32
      %dma_wait3A_13 = tpu.memref_slice %arg2[%dma_wait3A_12, %mul3A_2] : memref<8x32768xf32, #tpu.memory_space<hbm>> -> memref<8x1024xf32, #tpu.memory_space<hbm>>
      tpu.wait_dma2 semaphore(%run_scoped3A : memref<!tpu.dma_semaphore, #tpu.memory_space<semaphore_mem>>) src(%dma_wait3A_13 : memref<8x1024xf32, #tpu.memory_space<hbm>>) dst(%arg5 : memref<8x1024xf32, #tpu.memory_space<vmem>>)
      tpu.yield
    }) : () -> ()
    %scan3A = arith.constant 0 : i32
    %scan3A_3 = arith.constant 0 : i32
    %scan3A_4 = arith.constant 64 : i32
    %scan3A_5 = arith.addi %scan3A_3, %scan3A_4 : i32
    %scan3A_6 = arith.constant 1 : i32
    scf.for %scan3A_8 = %scan3A_3 to %scan3A_5 step %scan3A_6  : i32 {
      %mul3A_9 = arith.constant 16 : i32
      %mul3A_10 = arith.muli %scan3A_8, %mul3A_9 : i32
      %get3A = arith.constant 0 : i32
      %get3A_11 = arith.index_cast %get3A : i32 to index
      %get3A_12 = arith.index_cast %mul3A_10 : i32 to index
      %get3A_13 = tpu.vector_load %arg5[%get3A_11, %get3A_12] {strides = array<i32>} : memref<8x1024xf32, #tpu.memory_space<vmem>>, vector<1x16xf32>,
      %get3A_14 = vector.shape_cast %get3A_13 : vector<1x16xf32> to vector<16xf32>
      %get3A_15 = arith.constant 1 : i32
      %get3A_16 = arith.index_cast %get3A_15 : i32 to index
      %get3A_17 = arith.index_cast %mul3A_10 : i32 to index
      %get3A_18 = tpu.vector_load %arg5[%get3A_16, %get3A_17] {strides = array<i32>} : memref<8x1024xf32, #tpu.memory_space<vmem>>, vector<1x16xf32>,
      %get3A_19 = vector.shape_cast %get3A_18 : vector<1x16xf32> to vector<16xf32>
      %get3A_20 = arith.constant 2 : i32
      %get3A_21 = arith.index_cast %get3A_20 : i32 to index
      %get3A_22 = arith.index_cast %mul3A_10 : i32 to index
      %get3A_23 = tpu.vector_load %arg5[%get3A_21, %get3A_22] {strides = array<i32>} : memref<8x1024xf32, #tpu.memory_space<vmem>>, vector<1x16xf32>,
      %get3A_24 = vector.shape_cast %get3A_23 : vector<1x16xf32> to vector<16xf32>
      %get3A_25 = arith.constant 3 : i32
      %get3A_26 = arith.index_cast %get3A_25 : i32 to index
      %get3A_27 = arith.index_cast %mul3A_10 : i32 to index
      %get3A_28 = tpu.vector_load %arg5[%get3A_26, %get3A_27] {strides = array<i32>} : memref<8x1024xf32, #tpu.memory_space<vmem>>, vector<1x16xf32>,
      %get3A_29 = vector.shape_cast %get3A_28 : vector<1x16xf32> to vector<16xf32>
      %get3A_30 = arith.constant 4 : i32
      %get3A_31 = arith.index_cast %get3A_30 : i32 to index
      %get3A_32 = arith.index_cast %mul3A_10 : i32 to index
      %get3A_33 = tpu.vector_load %arg5[%get3A_31, %get3A_32] {strides = array<i32>} : memref<8x1024xf32, #tpu.memory_space<vmem>>, vector<1x16xf32>,
      %get3A_34 = vector.shape_cast %get3A_33 : vector<1x16xf32> to vector<16xf32>
      %get3A_35 = arith.constant 5 : i32
      %get3A_36 = arith.index_cast %get3A_35 : i32 to index
      %get3A_37 = arith.index_cast %mul3A_10 : i32 to index
      %get3A_38 = tpu.vector_load %arg5[%get3A_36, %get3A_37] {strides = array<i32>} : memref<8x1024xf32, #tpu.memory_space<vmem>>, vector<1x16xf32>,
      %get3A_39 = vector.shape_cast %get3A_38 : vector<1x16xf32> to vector<16xf32>
      %get3A_40 = arith.constant 6 : i32
      %get3A_41 = arith.index_cast %get3A_40 : i32 to index
      %get3A_42 = arith.index_cast %mul3A_10 : i32 to index
      %get3A_43 = tpu.vector_load %arg5[%get3A_41, %get3A_42] {strides = array<i32>} : memref<8x1024xf32, #tpu.memory_space<vmem>>, vector<1x16xf32>,
      %get3A_44 = vector.shape_cast %get3A_43 : vector<1x16xf32> to vector<16xf32>
      %get3A_45 = arith.constant 7 : i32
      %get3A_46 = arith.index_cast %get3A_45 : i32 to index
      %get3A_47 = arith.index_cast %mul3A_10 : i32 to index
      %get3A_48 = tpu.vector_load %arg5[%get3A_46, %get3A_47] {strides = array<i32>} : memref<8x1024xf32, #tpu.memory_space<vmem>>, vector<1x16xf32>,
      %get3A_49 = vector.shape_cast %get3A_48 : vector<1x16xf32> to vector<16xf32>
      %broadcast_in_dim3A = arith.constant 0 : i32
      %broadcast_in_dim3A_50 = vector.broadcast %broadcast_in_dim3A : i32 to vector<16xi32>
      %gt3A = arith.cmpf ogt, %get3A_19, %get3A_14 : vector<16xf32>
      %select_n3A = arith.select %gt3A, %get3A_19, %get3A_14 : vector<16xi1>, vector<16xf32>
      %jit3A = arith.constant 1 : i32
      %broadcast_in_dim3A_51 = vector.broadcast %jit3A : i32 to vector<16xi32>
      %select_n3A_52 = arith.select %gt3A, %broadcast_in_dim3A_51, %broadcast_in_dim3A_50 : vector<16xi1>, vector<16xi32>
      %gt3A_53 = arith.cmpf ogt, %get3A_24, %select_n3A : vector<16xf32>
      %select_n3A_54 = arith.select %gt3A_53, %get3A_24, %select_n3A : vector<16xi1>, vector<16xf32>
      %jit3A_55 = arith.constant 2 : i32
      %broadcast_in_dim3A_56 = vector.broadcast %jit3A_55 : i32 to vector<16xi32>
      %select_n3A_57 = arith.select %gt3A_53, %broadcast_in_dim3A_56, %select_n3A_52 : vector<16xi1>, vector<16xi32>
      %gt3A_58 = arith.cmpf ogt, %get3A_29, %select_n3A_54 : vector<16xf32>
      %select_n3A_59 = arith.select %gt3A_58, %get3A_29, %select_n3A_54 : vector<16xi1>, vector<16xf32>
      %jit3A_60 = arith.constant 3 : i32
      %broadcast_in_dim3A_61 = vector.broadcast %jit3A_60 : i32 to vector<16xi32>
      %select_n3A_62 = arith.select %gt3A_58, %broadcast_in_dim3A_61, %select_n3A_57 : vector<16xi1>, vector<16xi32>
      %gt3A_63 = arith.cmpf ogt, %get3A_34, %select_n3A_59 : vector<16xf32>
      %select_n3A_64 = arith.select %gt3A_63, %get3A_34, %select_n3A_59 : vector<16xi1>, vector<16xf32>
      %jit3A_65 = arith.constant 4 : i32
      %broadcast_in_dim3A_66 = vector.broadcast %jit3A_65 : i32 to vector<16xi32>
      %select_n3A_67 = arith.select %gt3A_63, %broadcast_in_dim3A_66, %select_n3A_62 : vector<16xi1>, vector<16xi32>
      %gt3A_68 = arith.cmpf ogt, %get3A_39, %select_n3A_64 : vector<16xf32>
      %select_n3A_69 = arith.select %gt3A_68, %get3A_39, %select_n3A_64 : vector<16xi1>, vector<16xf32>
      %jit3A_70 = arith.constant 5 : i32
      %broadcast_in_dim3A_71 = vector.broadcast %jit3A_70 : i32 to vector<16xi32>
      %select_n3A_72 = arith.select %gt3A_68, %broadcast_in_dim3A_71, %select_n3A_67 : vector<16xi1>, vector<16xi32>
      %gt3A_73 = arith.cmpf ogt, %get3A_44, %select_n3A_69 : vector<16xf32>
      %select_n3A_74 = arith.select %gt3A_73, %get3A_44, %select_n3A_69 : vector<16xi1>, vector<16xf32>
      %jit3A_75 = arith.constant 6 : i32
      %broadcast_in_dim3A_76 = vector.broadcast %jit3A_75 : i32 to vector<16xi32>
      %select_n3A_77 = arith.select %gt3A_73, %broadcast_in_dim3A_76, %select_n3A_72 : vector<16xi1>, vector<16xi32>
      %gt3A_78 = arith.cmpf ogt, %get3A_49, %select_n3A_74 : vector<16xf32>
      %select_n3A_79 = arith.select %gt3A_78, %get3A_49, %select_n3A_74 : vector<16xi1>, vector<16xf32>
      %jit3A_80 = arith.constant 7 : i32
      %broadcast_in_dim3A_81 = vector.broadcast %jit3A_80 : i32 to vector<16xi32>
      %select_n3A_82 = arith.select %gt3A_78, %broadcast_in_dim3A_81, %select_n3A_77 : vector<16xi1>, vector<16xi32>
      %broadcast_in_dim3A_83 = arith.constant -1.000000e+00 : f32
      %broadcast_in_dim3A_84 = vector.broadcast %broadcast_in_dim3A_83 : f32 to vector<16xf32>
      %eq3A = arith.constant 0 : i32
      %eq3A_85 = vector.broadcast %eq3A : i32 to vector<16xi32>
      %eq3A_86 = arith.cmpi eq, %select_n3A_82, %eq3A_85 : vector<16xi32>
      %select_n3A_87 = arith.select %eq3A_86, %broadcast_in_dim3A_84, %get3A_14 : vector<16xi1>, vector<16xf32>
      %broadcast_in_dim3A_88 = arith.constant 0 : i32
      %broadcast_in_dim3A_89 = vector.broadcast %broadcast_in_dim3A_88 : i32 to vector<16xi32>
      %eq3A_90 = arith.constant 1 : i32
      %eq3A_91 = vector.broadcast %eq3A_90 : i32 to vector<16xi32>
      %eq3A_92 = arith.cmpi eq, %select_n3A_82, %eq3A_91 : vector<16xi32>
      %select_n3A_93 = arith.select %eq3A_92, %broadcast_in_dim3A_84, %get3A_19 : vector<16xi1>, vector<16xf32>
      %gt3A_94 = arith.cmpf ogt, %select_n3A_93, %select_n3A_87 : vector<16xf32>
      %select_n3A_95 = arith.select %gt3A_94, %select_n3A_93, %select_n3A_87 : vector<16xi1>, vector<16xf32>
      %jit3A_96 = arith.constant 1 : i32
      %broadcast_in_dim3A_97 = vector.broadcast %jit3A_96 : i32 to vector<16xi32>
      %select_n3A_98 = arith.select %gt3A_94, %broadcast_in_dim3A_97, %broadcast_in_dim3A_89 : vector<16xi1>, vector<16xi32>
      %eq3A_99 = arith.constant 2 : i32
      %eq3A_100 = vector.broadcast %eq3A_99 : i32 to vector<16xi32>
      %eq3A_101 = arith.cmpi eq, %select_n3A_82, %eq3A_100 : vector<16xi32>
      %select_n3A_102 = arith.select %eq3A_101, %broadcast_in_dim3A_84, %get3A_24 : vector<16xi1>, vector<16xf32>
      %gt3A_103 = arith.cmpf ogt, %select_n3A_102, %select_n3A_95 : vector<16xf32>
      %select_n3A_104 = arith.select %gt3A_103, %select_n3A_102, %select_n3A_95 : vector<16xi1>, vector<16xf32>
      %jit3A_105 = arith.constant 2 : i32
      %broadcast_in_dim3A_106 = vector.broadcast %jit3A_105 : i32 to vector<16xi32>
      %select_n3A_107 = arith.select %gt3A_103, %broadcast_in_dim3A_106, %select_n3A_98 : vector<16xi1>, vector<16xi32>
      %eq3A_108 = arith.constant 3 : i32
      %eq3A_109 = vector.broadcast %eq3A_108 : i32 to vector<16xi32>
      %eq3A_110 = arith.cmpi eq, %select_n3A_82, %eq3A_109 : vector<16xi32>
      %select_n3A_111 = arith.select %eq3A_110, %broadcast_in_dim3A_84, %get3A_29 : vector<16xi1>, vector<16xf32>
      %gt3A_112 = arith.cmpf ogt, %select_n3A_111, %select_n3A_104 : vector<16xf32>
      %select_n3A_113 = arith.select %gt3A_112, %select_n3A_111, %select_n3A_104 : vector<16xi1>, vector<16xf32>
      %jit3A_114 = arith.constant 3 : i32
      %broadcast_in_dim3A_115 = vector.broadcast %jit3A_114 : i32 to vector<16xi32>
      %select_n3A_116 = arith.select %gt3A_112, %broadcast_in_dim3A_115, %select_n3A_107 : vector<16xi1>, vector<16xi32>
      %eq3A_117 = arith.constant 4 : i32
      %eq3A_118 = vector.broadcast %eq3A_117 : i32 to vector<16xi32>
      %eq3A_119 = arith.cmpi eq, %select_n3A_82, %eq3A_118 : vector<16xi32>
      %select_n3A_120 = arith.select %eq3A_119, %broadcast_in_dim3A_84, %get3A_34 : vector<16xi1>, vector<16xf32>
      %gt3A_121 = arith.cmpf ogt, %select_n3A_120, %select_n3A_113 : vector<16xf32>
      %select_n3A_122 = arith.select %gt3A_121, %select_n3A_120, %select_n3A_113 : vector<16xi1>, vector<16xf32>
      %jit3A_123 = arith.constant 4 : i32
      %broadcast_in_dim3A_124 = vector.broadcast %jit3A_123 : i32 to vector<16xi32>
      %select_n3A_125 = arith.select %gt3A_121, %broadcast_in_dim3A_124, %select_n3A_116 : vector<16xi1>, vector<16xi32>
      %eq3A_126 = arith.constant 5 : i32
      %eq3A_127 = vector.broadcast %eq3A_126 : i32 to vector<16xi32>
      %eq3A_128 = arith.cmpi eq, %select_n3A_82, %eq3A_127 : vector<16xi32>
      %select_n3A_129 = arith.select %eq3A_128, %broadcast_in_dim3A_84, %get3A_39 : vector<16xi1>, vector<16xf32>
      %gt3A_130 = arith.cmpf ogt, %select_n3A_129, %select_n3A_122 : vector<16xf32>
      %select_n3A_131 = arith.select %gt3A_130, %select_n3A_129, %select_n3A_122 : vector<16xi1>, vector<16xf32>
      %jit3A_132 = arith.constant 5 : i32
      %broadcast_in_dim3A_133 = vector.broadcast %jit3A_132 : i32 to vector<16xi32>
      %select_n3A_134 = arith.select %gt3A_130, %broadcast_in_dim3A_133, %select_n3A_125 : vector<16xi1>, vector<16xi32>
      %eq3A_135 = arith.constant 6 : i32
      %eq3A_136 = vector.broadcast %eq3A_135 : i32 to vector<16xi32>
      %eq3A_137 = arith.cmpi eq, %select_n3A_82, %eq3A_136 : vector<16xi32>
      %select_n3A_138 = arith.select %eq3A_137, %broadcast_in_dim3A_84, %get3A_44 : vector<16xi1>, vector<16xf32>
      %gt3A_139 = arith.cmpf ogt, %select_n3A_138, %select_n3A_131 : vector<16xf32>
      %select_n3A_140 = arith.select %gt3A_139, %select_n3A_138, %select_n3A_131 : vector<16xi1>, vector<16xf32>
      %jit3A_141 = arith.constant 6 : i32
      %broadcast_in_dim3A_142 = vector.broadcast %jit3A_141 : i32 to vector<16xi32>
      %select_n3A_143 = arith.select %gt3A_139, %broadcast_in_dim3A_142, %select_n3A_134 : vector<16xi1>, vector<16xi32>
      %eq3A_144 = arith.constant 7 : i32
      %eq3A_145 = vector.broadcast %eq3A_144 : i32 to vector<16xi32>
      %eq3A_146 = arith.cmpi eq, %select_n3A_82, %eq3A_145 : vector<16xi32>
      %select_n3A_147 = arith.select %eq3A_146, %broadcast_in_dim3A_84, %get3A_49 : vector<16xi1>, vector<16xf32>
      %gt3A_148 = arith.cmpf ogt, %select_n3A_147, %select_n3A_140 : vector<16xf32>
      %select_n3A_149 = arith.select %gt3A_148, %select_n3A_147, %select_n3A_140 : vector<16xi1>, vector<16xf32>
      %jit3A_150 = arith.constant 7 : i32
      %broadcast_in_dim3A_151 = vector.broadcast %jit3A_150 : i32 to vector<16xi32>
      %select_n3A_152 = arith.select %gt3A_148, %broadcast_in_dim3A_151, %select_n3A_143 : vector<16xi1>, vector<16xi32>
      %swap3A = arith.constant 0 : i32
      %swap3A_153 = arith.index_cast %swap3A : i32 to index
      %swap3A_154 = arith.index_cast %mul3A_10 : i32 to index
      %swap3A_155 = tpu.vector_load %arg6[%swap3A_153, %swap3A_154] {strides = array<i32>} : memref<2x1024xf32, #tpu.memory_space<vmem>>, vector<1x16xf32>,
      %swap3A_156 = vector.shape_cast %swap3A_155 : vector<1x16xf32> to vector<16xf32>
      %swap3A_157 = vector.shape_cast %select_n3A_79 : vector<16xf32> to vector<1x16xf32>
      tpu.vector_store %arg6[%swap3A_153, %swap3A_154], %swap3A_157 {strides = array<i32>} : memref<2x1024xf32, #tpu.memory_space<vmem>>, vector<1x16xf32>,
      %swap3A_158 = arith.constant 1 : i32
      %swap3A_159 = arith.index_cast %swap3A_158 : i32 to index
      %swap3A_160 = arith.index_cast %mul3A_10 : i32 to index
      %swap3A_161 = tpu.vector_load %arg6[%swap3A_159, %swap3A_160] {strides = array<i32>} : memref<2x1024xf32, #tpu.memory_space<vmem>>, vector<1x16xf32>,
      %swap3A_162 = vector.shape_cast %swap3A_161 : vector<1x16xf32> to vector<16xf32>
      %swap3A_163 = vector.shape_cast %select_n3A_149 : vector<16xf32> to vector<1x16xf32>
      tpu.vector_store %arg6[%swap3A_159, %swap3A_160], %swap3A_163 {strides = array<i32>} : memref<2x1024xf32, #tpu.memory_space<vmem>>, vector<1x16xf32>,
      %swap3A_164 = arith.constant 0 : i32
      %swap3A_165 = arith.index_cast %swap3A_164 : i32 to index
      %swap3A_166 = arith.index_cast %mul3A_10 : i32 to index
      %swap3A_167 = tpu.vector_load %arg7[%swap3A_165, %swap3A_166] {strides = array<i32>} : memref<2x1024xi32, #tpu.memory_space<vmem>>, vector<1x16xi32>,
      %swap3A_168 = vector.shape_cast %swap3A_167 : vector<1x16xi32> to vector<16xi32>
      %swap3A_169 = vector.shape_cast %select_n3A_82 : vector<16xi32> to vector<1x16xi32>
      tpu.vector_store %arg7[%swap3A_165, %swap3A_166], %swap3A_169 {strides = array<i32>} : memref<2x1024xi32, #tpu.memory_space<vmem>>, vector<1x16xi32>,
      %swap3A_170 = arith.constant 1 : i32
      %swap3A_171 = arith.index_cast %swap3A_170 : i32 to index
      %swap3A_172 = arith.index_cast %mul3A_10 : i32 to index
      %swap3A_173 = tpu.vector_load %arg7[%swap3A_171, %swap3A_172] {strides = array<i32>} : memref<2x1024xi32, #tpu.memory_space<vmem>>, vector<1x16xi32>,
      %swap3A_174 = vector.shape_cast %swap3A_173 : vector<1x16xi32> to vector<16xi32>
      %swap3A_175 = vector.shape_cast %select_n3A_152 : vector<16xi32> to vector<1x16xi32>
      tpu.vector_store %arg7[%swap3A_171, %swap3A_172], %swap3A_175 {strides = array<i32>} : memref<2x1024xi32, #tpu.memory_space<vmem>>, vector<1x16xi32>,
    }
    %scan3A_7 = arith.constant 64 : i32
    "tpu.region"() ({
      %run_scoped3A = tpu.sem_alloc : memref<!tpu.dma_semaphore, #tpu.memory_space<semaphore_mem>>
      %dma_start3A = arith.constant 0 : i32
      %dma_start3A_8 = tpu.memref_slice %arg3[%dma_start3A, %mul3A_2] : memref<2x32768xf32, #tpu.memory_space<hbm>> -> memref<2x1024xf32, #tpu.memory_space<hbm>>
      %dma_start3A_9 = arith.constant 0 : i32
      %dma_start3A_10 = tpu.memref_slice %arg3[%dma_start3A_9, %mul3A_2] : memref<2x32768xf32, #tpu.memory_space<hbm>> -> memref<2x1024xf32, #tpu.memory_space<hbm>>
      tpu.enqueue_dma source(%arg6 : memref<2x1024xf32, #tpu.memory_space<vmem>>) target(%dma_start3A_10 : memref<2x1024xf32, #tpu.memory_space<hbm>>) target_semaphore(%run_scoped3A : memref<!tpu.dma_semaphore, #tpu.memory_space<semaphore_mem>>)
      %dma_wait3A = arith.constant 0 : i32
      %dma_wait3A_11 = tpu.memref_slice %arg3[%dma_wait3A, %mul3A_2] : memref<2x32768xf32, #tpu.memory_space<hbm>> -> memref<2x1024xf32, #tpu.memory_space<hbm>>
      %dma_wait3A_12 = arith.constant 0 : i32
      %dma_wait3A_13 = tpu.memref_slice %arg3[%dma_wait3A_12, %mul3A_2] : memref<2x32768xf32, #tpu.memory_space<hbm>> -> memref<2x1024xf32, #tpu.memory_space<hbm>>
      tpu.wait_dma2 semaphore(%run_scoped3A : memref<!tpu.dma_semaphore, #tpu.memory_space<semaphore_mem>>) src(%arg6 : memref<2x1024xf32, #tpu.memory_space<vmem>>) dst(%dma_wait3A_13 : memref<2x1024xf32, #tpu.memory_space<hbm>>)
      tpu.yield
    }) : () -> ()
    "tpu.region"() ({
      %run_scoped3A = tpu.sem_alloc : memref<!tpu.dma_semaphore, #tpu.memory_space<semaphore_mem>>
      %dma_start3A = arith.constant 0 : i32
      %dma_start3A_8 = tpu.memref_slice %arg4[%dma_start3A, %mul3A_2] : memref<2x32768xi32, #tpu.memory_space<hbm>> -> memref<2x1024xi32, #tpu.memory_space<hbm>>
      %dma_start3A_9 = arith.constant 0 : i32
      %dma_start3A_10 = tpu.memref_slice %arg4[%dma_start3A_9, %mul3A_2] : memref<2x32768xi32, #tpu.memory_space<hbm>> -> memref<2x1024xi32, #tpu.memory_space<hbm>>
      tpu.enqueue_dma source(%arg7 : memref<2x1024xi32, #tpu.memory_space<vmem>>) target(%dma_start3A_10 : memref<2x1024xi32, #tpu.memory_space<hbm>>) target_semaphore(%run_scoped3A : memref<!tpu.dma_semaphore, #tpu.memory_space<semaphore_mem>>)
      %dma_wait3A = arith.constant 0 : i32
      %dma_wait3A_11 = tpu.memref_slice %arg4[%dma_wait3A, %mul3A_2] : memref<2x32768xi32, #tpu.memory_space<hbm>> -> memref<2x1024xi32, #tpu.memory_space<hbm>>
      %dma_wait3A_12 = arith.constant 0 : i32
      %dma_wait3A_13 = tpu.memref_slice %arg4[%dma_wait3A_12, %mul3A_2] : memref<2x32768xi32, #tpu.memory_space<hbm>> -> memref<2x1024xi32, #tpu.memory_space<hbm>>
      tpu.wait_dma2 semaphore(%run_scoped3A : memref<!tpu.dma_semaphore, #tpu.memory_space<semaphore_mem>>) src(%arg7 : memref<2x1024xi32, #tpu.memory_space<vmem>>) dst(%dma_wait3A_13 : memref<2x1024xi32, #tpu.memory_space<hbm>>)
      tpu.yield
    }) : () -> ()
    return
  }
}

module attributes {stable_mosaic.version = 14 : i64} {
  func.func @_scores_body(%arg0: i32, %arg1: memref<2048x1024xf32, #tpu.memory_space<vmem>>, %arg2: memref<8x1024xf32, #tpu.memory_space<vmem>>, %arg3: memref<8x1xf32, #tpu.memory_space<vmem>>, %arg4: memref<8x2048xf32, #tpu.memory_space<vmem>>) attributes {dimension_semantics = [#tpu.dimension_semantics<arbitrary>], iteration_bounds = array<i64: 16>, scalar_prefetch = 0 : i64, scratch_operands = 0 : i64, tpu.core_type = #tpu.core_type<tc>, window_params = [{transform_indices = @transform_0, window_bounds = array<i64: 2048, 1024>}, {pipeline_mode = #tpu.pipeline_mode<synchronous>, transform_indices = @transform_1, window_bounds = array<i64: 8, 1024>}, {pipeline_mode = #tpu.pipeline_mode<synchronous>, transform_indices = @transform_2, window_bounds = array<i64: 8, 1>}, {transform_indices = @transform_3, window_bounds = array<i64: 8, 2048>}]} {
    %get3A = arith.constant 0 : index
    %get3A_0 = arith.constant 0 : index
    %get3A_1 = vector.load %arg1[%get3A, %get3A_0] : memref<2048x1024xf32, #tpu.memory_space<vmem>>, vector<2048x1024xf32>
    %get3A_2 = arith.constant 0 : index
    %get3A_3 = arith.constant 0 : index
    %get3A_4 = vector.load %arg2[%get3A_2, %get3A_3] : memref<8x1024xf32, #tpu.memory_space<vmem>>, vector<8x1024xf32>
    %dot_general3A = arith.constant dense<0.000000e+00> : vector<2048x8xf32>
    %dot_general3A_5 = tpu.matmul %get3A_1, %get3A_4, %dot_general3A {dimension_numbers = #tpu.dot_dimension_numbers<[1], [1], [0], [0], [0, 0, 1, 0], [], []>, transpose_lhs_hint = false} : vector<2048x1024xf32>, vector<8x1024xf32>, vector<2048x8xf32> -> vector<2048x8xf32>
    %transpose3A = tpu.transpose %dot_general3A_5, [1, 0] : vector<2048x8xf32> -> vector<8x2048xf32>
    %get3A_6 = arith.constant 0 : index
    %get3A_7 = arith.constant 0 : index
    %get3A_8 = vector.load %arg3[%get3A_6, %get3A_7] : memref<8x1xf32, #tpu.memory_space<vmem>>, vector<8x1xf32>
    %add3A = vector.broadcast %get3A_8 : vector<8x1xf32> to vector<8x2048xf32>
    %add3A_9 = arith.addf %transpose3A, %add3A : vector<8x2048xf32>
    %reduce_max3A = arith.constant dense<0xFF800000> : vector<2048xf32>
    %reduce_max3A_10 = vector.multi_reduction <maximumf>, %add3A_9, %reduce_max3A [0] : vector<8x2048xf32> to vector<2048xf32>
    %broadcast_in_dim3A = vector.shape_cast %reduce_max3A_10 : vector<2048xf32> to vector<1x2048xf32>
    %sub3A = vector.broadcast %broadcast_in_dim3A : vector<1x2048xf32> to vector<8x2048xf32>
    %sub3A_11 = arith.subf %add3A_9, %sub3A : vector<8x2048xf32>
    %exp3A = math.exp %sub3A_11 : vector<8x2048xf32>
    %reduce_sum3A = arith.constant dense<0.000000e+00> : vector<2048xf32>
    %reduce_sum3A_12 = vector.multi_reduction <add>, %exp3A, %reduce_sum3A [0] : vector<8x2048xf32> to vector<2048xf32>
    %broadcast_in_dim3A_13 = vector.shape_cast %reduce_sum3A_12 : vector<2048xf32> to vector<1x2048xf32>
    %div3A = vector.broadcast %broadcast_in_dim3A_13 : vector<1x2048xf32> to vector<8x2048xf32>
    %div3A_14 = arith.divf %exp3A, %div3A : vector<8x2048xf32>
    %swap3A = arith.constant 0 : index
    %swap3A_15 = arith.constant 0 : index
    %swap3A_16 = vector.load %arg4[%swap3A, %swap3A_15] : memref<8x2048xf32, #tpu.memory_space<vmem>>, vector<8x2048xf32>
    tpu.vector_store %arg4[%swap3A, %swap3A_15], %div3A_14 {strides = array<i32>} : memref<8x2048xf32, #tpu.memory_space<vmem>>, vector<8x2048xf32>,
    return
  }
  func.func @transform_0(%arg0: i32) -> (i32, i32) {
    %c0_i32 = arith.constant 0 : i32
    %c0_i32_0 = arith.constant 0 : i32
    return %arg0, %c0_i32 : i32, i32
  }
  func.func @transform_1(%arg0: i32) -> (i32, i32) {
    %c0_i32 = arith.constant 0 : i32
    %c0_i32_0 = arith.constant 0 : i32
    %c0_i32_1 = arith.constant 0 : i32
    return %c0_i32, %c0_i32_0 : i32, i32
  }
  func.func @transform_2(%arg0: i32) -> (i32, i32) {
    %c0_i32 = arith.constant 0 : i32
    %c0_i32_0 = arith.constant 0 : i32
    %c0_i32_1 = arith.constant 0 : i32
    return %c0_i32, %c0_i32_0 : i32, i32
  }
  func.func @transform_3(%arg0: i32) -> (i32, i32) {
    %c0_i32 = arith.constant 0 : i32
    %c0_i32_0 = arith.constant 0 : i32
    return %c0_i32, %arg0 : i32, i32
  }
}

</mosaic_0001>

<sc_bundles>
// kernel: kernel.4.cloned.1.call-start
scs
__scs_entry_jumppad:
0x0: {  	(pc) =	sbr.rel $0x88, $3  }
0x1: {  	(tag) =	ssettag $0x0;
	lr =	simm.s32 $0x1  }
0x2: {  	[smem:$0x3F9E] =	sst lr;
	_ =	strace $0xD0000000  }
0x3: {  	_ = 	snop  }
0x4: {  	_ = 	snop  }
0x5: {  	_ = 	snop  }
0x6: {  	_ = 	snop  }
0x7: {  	_ = 	snop  }
__scs_overlays_trampoline_lowered:
0x8: {  	[smem:$0x3FAD] =	sst s0  }
0x9: {  	[smem:$0x3FAE] =	sst s1  }
0xa: {  	[smem:$0x3FAF] =	sst s2  }
0xb: {  	[smem:$0x3FB0] =	sst s3  }
0xc: {  	[smem:$0x3FB1] =	sst s4  }
0xd: {  	[smem:$0x3FB2] =	sst s5  }
0xe: {  	[smem:$0x3FB3] =	sst s6  }
0xf: {  	[smem:$0x3FB4] =	sst s7  }
0x10: {  	[smem:$0x3FB5] =	sst s8  }
0x11: {  	[smem:$0x3FB6] =	sst s9;
	s0 =	simm.s32 @!p0 $0x0  }
0x12: {  	s1 =	sld [smem:$0x3F9C];
	s0 =	simm.s32 @p0 $0x1  }
0x13: {  	[smem:$0x3FB7] =	sst s0;
	s0 =	simm.s32 @!p1 $0x0  }
0x14: {  	s2 =	sld [smem:$0x3F9B];
	s0 =	simm.s32 @p1 $0x1  }
0x15: {  	[smem:$0x3FB8] =	sst s0;
	s0 =	simm.s32 @!p2 $0x0  }
0x16: {  	s3 =	sld [smem:$0x3FDB];
	s0 =	simm.s32 @p2 $0x1  }
0x17: {  	s4 =	simm.s32 $0x1BF5;
	[smem:$0x3FBA] =	sst s0  }
0x18: {  	s0 =	sld [smem:$0x3F9D];
	_ =	swait.ge [sflag:s4], $0x0  }
0x19: {  	s7 =	sld [smem:$0x3F9E]  }
0x1a: {  	s8 =	sadd.s32 $0xFFFFE003, lr  }
0x1b: {  	s9 =	sadd.s32 $0xFFFFFEF7, lr;
	s5 =	simm.s32 $0xFFFFFFFF;
	p2 =	slt.u32 s8, $0xFFFFF086  }
0x1c: {  	p1 =	slt.u32 s9, $0xF7A;
	s5 =	simm.s32 @!p2 $0x0  }
0x1d: {  	s5 =	simm.s32 @p1 $0x1;
	p0 =	seq.s32 s7, s2  }
0x1e: {  	s7 =	smul.u32 @!p0 $0xF7A, s2;
	p2 =	seq.s32 @!p0 s5, $0x0  }
0x1f: {  	s9 =	smul.u32 $0xF7A, s1;
	s8 =	simm.s32 @!p0 $0x1BF5;
	p2 =	por !p2, p0  }
0x20: {  	[sflag:s8] =	ssyncset.s32 @!p0 $0xFFFFF086;
	s6 =	sadd.s32 @!p0 s3, s7;
	s7 =	simm.s32 @!p0 $0x108  }
0x21: {  	s3 =	sadd.s32 s3, s9;
	s6 =	sadd.s32 @!p0 $0x88, s6;
	s7 =	simm.s32 @p2 $0x1082  }
0x22: {  	[simem:s7], [sflag:s8] =	dma.local @!p0 [hbm:s6], $0xF7A  }
0x23: {  	s9 =	sor.u32 $0xD0000000, s2;
	s6 =	simm.s32 $0x108;
	_ =	swait.ge @!p0 [sflag:s8], $0x0  }
0x24: {  	s3 =	sadd.s32 $0x88, s3;
	s6 =	simm.s32 @!p1 $0x1082;
	[sflag:s4] =	ssyncset.s32 $0xFFFFF086  }
0x25: {  	[simem:s6], [sflag:s4] =	dma.local [hbm:s3], $0xF7A  }
0x26: {  	[smem:$0x3F9E] =	sst s1;
	(tag) =	ssettag s2;
	_ =	strace s9  }
0x27: {  	s1 =	sld [smem:$0x3FAE]  }
0x28: {  	s2 =	sld [smem:$0x3FAF]  }
0x29: {  	s4 =	sld [smem:$0x3FB1]  }
0x2a: {  	p0 =	seq.s32 s5, $0x0;
	s5 =	sld [smem:$0x3FB2]  }
0x2b: {  	s6 =	sld [smem:$0x3FB3]  }
0x2c: {  	s7 =	sld [smem:$0x3FB4]  }
0x2d: {  	s3 =	simm.s32 $0x108;
	s8 =	sld [smem:$0x3FB5]  }
0x2e: {  	s3 =	simm.s32 @!p0 $0x1082;
	s9 =	sld [smem:$0x3FB6]  }
0x2f: {  	lr =	sadd.s32 s0, s3;
	s0 =	sld [smem:$0x3FAD]  }
0x30: {  	s3 =	sld [smem:$0x3FB0]  }
0x31: {  	[smem:$0x3FB9] =	sst s10  }
0x32: {  	s10 =	sld [smem:$0x3FB7];
	_ =	sdelay $0x3  }
0x33: {  	p0 =	seq.s32 s10, $0x1;
	s10 =	sld [smem:$0x3FB9];
	_ =	sdelay $0x3  }
0x34: {  	[smem:$0x3FB9] =	sst s10  }
0x35: {  	s10 =	sld [smem:$0x3FB8];
	_ =	sdelay $0x3  }
0x36: {  	p1 =	seq.s32 s10, $0x1;
	s10 =	sld [smem:$0x3FB9];
	_ =	sdelay $0x3  }
0x37: {  	[smem:$0x3FB9] =	sst s10  }
0x38: {  	s10 =	sld [smem:$0x3FBA]  }
0x39: {  	_ = 	snop;
	(pc) =	sbr.ind lr, $3  }
0x3a: {  	_ = 	snop  }
0x3b: {  	_ = 	snop  }
0x3c: {  	p2 =	seq.s32 s10, $0x1;
	s10 =	sld [smem:$0x3FB9]  }
0x3d: {  	_ =	shalt  }
0x3e: {  	_ =	shalt  }
0x3f: {  	_ =	shalt  }
0x40: {  	_ =	shalt  }
0x41: {  	_ =	shalt  }
0x42: {  	_ =	shalt  }
0x43: {  	_ =	shalt  }
0x44: {  	_ =	shalt  }
0x45: {  	_ =	shalt  }
0x46: {  	_ =	shalt  }
0x47: {  	_ =	shalt  }
0x48: {  	_ =	shalt  }
0x49: {  	_ =	shalt  }
0x4a: {  	_ =	shalt  }
0x4b: {  	_ =	shalt  }
0x4c: {  	_ =	shalt  }
0x4d: {  	_ =	shalt  }
0x4e: {  	_ =	shalt  }
0x4f: {  	_ =	shalt  }
0x50: {  	_ =	shalt  }
0x51: {  	_ =	shalt  }
0x52: {  	_ =	shalt  }
0x53: {  	_ =	shalt  }
0x54: {  	_ =	shalt  }
0x55: {  	_ =	shalt  }
0x56: {  	_ =	shalt  }
0x57: {  	_ =	shalt  }
0x58: {  	_ =	shalt  }
0x59: {  	_ =	shalt  }
0x5a: {  	_ =	shalt  }
0x5b: {  	_ =	shalt  }
0x5c: {  	_ =	shalt  }
0x5d: {  	_ =	shalt  }
0x5e: {  	_ =	shalt  }
0x5f: {  	_ =	shalt  }
0x60: {  	_ =	shalt  }
0x61: {  	_ =	shalt  }
0x62: {  	_ =	shalt  }
0x63: {  	_ =	shalt  }
0x64: {  	_ =	shalt  }
0x65: {  	_ =	shalt  }
0x66: {  	_ =	shalt  }
0x67: {  	_ =	shalt  }
0x68: {  	_ =	shalt  }
0x69: {  	_ =	shalt  }
0x6a: {  	_ =	shalt  }
0x6b: {  	_ =	shalt  }
0x6c: {  	_ =	shalt  }
0x6d: {  	_ =	shalt  }
0x6e: {  	_ =	shalt  }
0x6f: {  	_ =	shalt  }
0x70: {  	_ =	shalt  }
0x71: {  	_ =	shalt  }
0x72: {  	_ =	shalt  }
0x73: {  	_ =	shalt  }
0x74: {  	_ =	shalt  }
0x75: {  	_ =	shalt  }
0x76: {  	_ =	shalt  }
0x77: {  	_ =	shalt  }
0x78: {  	_ =	shalt  }
0x79: {  	_ =	shalt  }
0x7a: {  	_ =	shalt  }
0x7b: {  	_ =	shalt  }
0x7c: {  	_ =	shalt  }
0x7d: {  	_ =	shalt  }
0x7e: {  	_ =	shalt  }
0x7f: {  	_ =	shalt  }
0x80: {  	_ =	shalt  }
0x81: {  	_ =	shalt  }
0x82: {  	_ =	shalt  }
0x83: {  	_ =	shalt  }
0x84: {  	_ =	shalt  }
0x85: {  	_ =	shalt  }
0x86: {  	_ =	shalt  }
0x87: {  	_ =	shalt  }
.Lfunc_end0:
.L_simem_size_0:
called_computation_lowered:
.L_overlay_start_0:
0x88: {  	s2 =	sld [smem:$0x3FD9]  }
0x89: {  	s3 =	sld [smem:$0x3FFE];
	_ =	sdelay $0x1  }
0x8a: {  	s1 =	srdreg.scid  }
0x8b: {  	s0 =	sand.u32 $0x1, s1  }
0x8c: {  	s14 =	sshll.u32 s0, $0xA;
	s2 =	sadd.s32 s3, s2  }
0x8d: {  	s2 =	sadd.s32 s2, s14  }
0x8e: {  	[smem:$0x3FC5] =	sst s2  }
0x8f: {  	_ = 	snop  }
0x90: {  	s2 =	sld [smem:$0x3FD0];
	_ =	sdelay $0x2  }
0x91: {  	s15 =	simm.s32 $0xA;
	s4 =	simm.s32 $0x10  }
0x92: {  	[smem:s4], [sflag:s15] =	dma.local [hbm:s2], $0x1  }
0x93: {  	_ =	swait.eq [sflag:s15], $0x1  }
0x94: {  	[sflag:s15] =	ssyncset.done $0x0  }
0x95: {  	s16 =	sld [smem:$0x10];
	[sflag:s15] =	ssyncadd.s32 $0xFFFFFFFF  }
0x96: {  	s17 =	sld [smem:$0x11];
	(tm) =	ssettm $0x1  }
0x97: {  	s18 =	sld [smem:$0x3FFB];
	_ =	sdelay $0x3  }
0x98: {  	_ =	strace s18  }
0x99: {  	s4 =	sld [smem:$0x3FFC];
	_ =	sdelay $0x3  }
0x9a: {  	_ =	strace s4  }
0x9b: {  	s4 =	sld [smem:$0x3FFD];
	_ =	sdelay $0x3  }
0x9c: {  	_ =	strace s4  }
0x9d: {  	_ =	strace $0x8FFFFFFF  }
0x9e: {  	s19 =	sld [smem:$0x3FDB];
	_ =	sdelay $0x1  }
0x9f: {  	s5 =	simm.s32 $_scs_section_size  }
0xa0: {  	s6 =	simm.s32 $_size__tile_overlayer_lowered;
	s7 =	simm.s32 $_tile_overlayer_lowered  }
0xa1: {  	s22 =	simm.s32 $0x1BFF;
	s21 =	sshll.u32 s7, $0x1;
	s4 =	sadd.s32 s5, s19  }
0xa2: {  	s8 =	simm.s32 $0x0;
	s20 =	sshll.u32 s6, $0x1;
	s6 =	sadd.s32 s21, s4  }
0xa3: {  	[timem:s8], [sflag:s22] =	dma.local [hbm:s6], s20  }
0xa4: {  	_ =	swait.ge [sflag:s22], s20  }
0xa5: {  	s5 =	ssub.s32 $0x0, s20;
	[sflag:s22] =	ssyncset.done $0x0  }
0xa6: {  	[sflag:s22] =	ssyncadd.s32 s5;
	_ =	sdelay $0x1  }
0xa7: {  	s23 =	simm.s32 $0x1B8B  }
0xa8: {  	_ =	swait.ge [sflag:s23], $0x1  }
0xa9: {  	[sflag:s23] =	ssyncset.done $0x0  }
0xaa: {  	s25 =	simm.s32 $0x1B8E;
	s24 =	sld [smem:$0x3FFE];
	[sflag:s23] =	ssyncadd.s32 $0xFFFFFFFF  }
0xab: {  	s26 =	simm.s32 $execute0_lowered;
	[smem:$0x3FD2] =	sst s25  }
0xac: {  	s6 =	sshll.u32 s26, $0x1;
	_ =	strace $0x80000046;
	[dreg:$0x1] =	wrdreg $0xFFFFFFFF  }
0xad: {  	s28 =	simm.s32 $_size_execute0_lowered;
	s4 =	sadd.s32 s4, s6;
	[dreg:$0x0] =	wrdreg $0x0  }
0xae: {  	s6 =	sshll.u32 s28, $0x1;
	[dreg:$0x2] =	wrdreg s4  }
0xaf: {  	[dreg:$0x3] =	wrdreg s6  }
0xb0: {  	[dreg:$0x4] =	wrdreg $0xC0  }
0xb1: {  	_ =	task [dreg:s8], $0x5FFFF  }
0xb2: {  	[dreg:$0x1] =	wrdreg $0xFFFFFFFF  }
0xb3: {  	[dreg:$0x0] =	wrdreg $0x60  }
0xb4: {  	[dreg:$0x2] =	wrdreg s24  }
0xb5: {  	[dreg:$0x3] =	wrdreg s16  }
0xb6: {  	[dreg:$0x4] =	wrdreg s17  }
0xb7: {  	[dreg:$0x5] =	wrdreg $0x9  }
0xb8: {  	_ =	task.clear_ibuf [dreg:s8], $0x6FFFF;
	_ =	strace $0x90000046  }
0xb9: {  	s29 =	simm.s32 $0x9;
	_ =	strace $0x80000048  }
0xba: {  	_ =	swait.ge [sflag:s29], $0x1  }
0xbb: {  	[sflag:s29] =	ssyncadd.s32 $0xFFFFFFFF  }
0xbc: {  	_ =	strace $0x90000048  }
0xbd: {  	_ =	sfence  }
0xbe: {  	s30 =	sld [smem:$0x0];
	_ =	sdelay $0x2  }
0xbf: {  	s31 =	sshll.u32 s1, $0xD;
	s1 =	sshrl.u32 s1, $0x2  }
0xc0: {  	s3 =	sand.u32 $0x4000, s31;
	s1 =	sadd.s32 s1, s30  }
0xc1: {  	s0 =	sor.u32 s3, s0;
	s1 =	sshll.u32 s1, $0x11  }
0xc2: {  	s0 =	sor.u32 s1, s0  }
0xc3: {  	s0 =	sadd.s32 $0x8F2B, s0  }
0xc4: {  	[sflag:s0] =	ssyncadd.remote.s32 $0x1  }
0xc5: {  	_ =	sfence.sel $0xFFFF  }
0xc6: {  	[dreg:$0x0] =	wrdreg $0xFFFFFFFF;
	(pc) =	sbr.abs _section_cstart, $3  }
0xc7: {  	[dreg:$0x1] =	wrdreg $0xFFFFFFFF  }
0xc8: {  	_ =	task.clear_ibuf [dreg:s8], $0x2FFFF;
	_ =	strace $0x9FFFFFFF  }
0xc9: {  	(tm) =	ssettm $0x7FFFFFFF  }
tec
execute0_lowered:
.L_overlay_start_1:
0x0: {  	(tag) =	ssettag $0x1  }
0x1: {  	s3 =	rddreg [dreg:$0x0]  }
0x2: {  	s4 =	rddreg [dreg:$0x1]  }
0x3: {  	s5 =	rddreg [dreg:$0x2]  }
0x4: {  	s0 =	rddreg [dreg:$0x3];
	s6 =	srdreg.scid  }
0x5: {  	s2 =	simm.s32 $0x0;
	s1 =	stileid.u32;
	s9 =	simm.s32 $0x2800  }
0x6: {  	s10 =	simm.s32 $0x0;
	s6 =	sand.u32 $0x1, s6;
	[smem:$0x7FF] =	sst s2  }
0x7: {  	s7 =	sshll.u32 s1, $0xB;
	s8 =	sshll.u32 s6, $0xA;
	s6 =	ssub.s32 $0x2, s6  }
0x8: {  	_ =	strace $0x80000047;
	s7 =	sor.u32 s8, s7;
	s31 =	sshrl.u32 s6, $0x1  }
0x9: {  	s8 =	simm.s32 $0x2000;
	s3 =	sadd.s32 s7, s3;
	s7 =	sshrl.u32 s7, $0x2  }
0xa: {  	s6 =	ssub.s32 s6, s31;
	s3 =	sadd.s32 $0xC00, s3;
	s4 =	sadd.s32 s4, s7  }
0xb: {  	v0 =	vimm.s32 $0x0;
	s5 =	sadd.s32 s5, s7;
	s6 =	smax.u32 s6, $0x1;
	s7 =	simm.s32 $0x1  }
.LBB2_1:
0xc: {  	[tilespmem:s2], [sflag:$0x1] =	stream.linear.gather [hbm4b:s3+s2], $0x2000, $0x38;
	[tilespmem:$0x3000] =	vst v63  }
0xd: {  	s12 =	simm.s32 $0x0;
	_ =	swait.ge [sflag:s7], $0x2000  }
0xe: {  	s11 =	sand.u32 $0x70, s2;
	s12 =	sand.u32 $0x3FFFFC00, s12;
	[sflag:s7] =	ssyncset.done $0x0  }
0xf: {  	s12 =	sor.u32 s11, s12;
	[sflag:s7] =	ssyncadd.s32 $0xFFFFE000  }
0x10: {  	v1 =	vld [tilespmem:s12+$0x0]  }
0x11: {  	v2 =	vld [tilespmem:s12+$0x80];
	_ =	sdelay $0x1  }
0x12: {  	v3 =	vld [tilespmem:s12+$0x100];
	_ =	sdelay $0x1  }
0x13: {  	v4 =	vld [tilespmem:s12+$0x180]  }
0x14: {  	vm0 =	vgt.f32 v2, v1  }
0x15: {  	v5 =	vld [tilespmem:s12+$0x200];
	v6 =	vsel vm0, v2, v1  }
0x16: {  	vm1 =	vgt.f32 v3, v6  }
0x17: {  	v7 =	vld [tilespmem:s12+$0x280];
	v6 =	vsel vm1, v3, v6  }
0x18: {  	vm2 =	vgt.f32 v4, v6  }
0x19: {  	v8 =	vld [tilespmem:s12+$0x300];
	v6 =	vsel vm2, v4, v6  }
0x1a: {  	vm3 =	vgt.f32 v5, v6  }
0x1b: {  	v9 =	vld [tilespmem:s12+$0x380];
	v6 =	vsel vm3, v5, v6  }
0x1c: {  	v10 =	vsel vm0, $0x1, v0;
	vm0 =	vgt.f32 v7, v6  }
0x1d: {  	v10 =	vsel vm1, $0x2, v10;
	v6 =	vsel vm0, v7, v6  }
0x1e: {  	v10 =	vsel vm2, $0x3, v10;
	vm1 =	vgt.f32 v8, v6  }
0x1f: {  	v10 =	vsel vm3, $0x4, v10;
	v6 =	vsel vm1, v8, v6  }
0x20: {  	v10 =	vsel vm0, $0x5, v10;
	vm0 =	vgt.f32 v9, v6  }
0x21: {  	v10 =	vsel vm1, $0x6, v10;
	vm0 =	vmneg vm0  }
0x22: {  	v10 =	vnsel vm0, $0x7, v10  }
0x23: {  	vm2 =	veq.s32 v10, $0x0;
	vm3 =	veq.s32 v10, $0x1  }
0x24: {  	v1 =	vsel vm2, $0xBF800000, v1;
	v2 =	vsel vm3, $0xBF800000, v2  }
0x25: {  	vm2 =	veq.s32 v10, $0x2;
	vm3 =	vgt.f32 v2, v1  }
0x26: {  	v3 =	vsel vm2, $0xBF800000, v3;
	v1 =	vsel vm3, v2, v1  }
0x27: {  	vm2 =	veq.s32 v10, $0x3;
	vm4 =	vgt.f32 v3, v1  }
0x28: {  	v2 =	vsel vm2, $0xBF800000, v4;
	v1 =	vsel vm4, v3, v1  }
0x29: {  	vm2 =	veq.s32 v10, $0x4;
	vm5 =	vgt.f32 v2, v1  }
0x2a: {  	v3 =	vsel vm2, $0xBF800000, v5;
	v1 =	vsel vm5, v2, v1  }
0x2b: {  	vm2 =	veq.s32 v10, $0x5;
	vm6 =	vgt.f32 v3, v1  }
0x2c: {  	v4 =	vsel vm2, $0xBF800000, v7;
	v2 =	vsel vm3, $0x1, v0;
	v1 =	vsel vm6, v3, v1  }
0x2d: {  	s31 =	simm.s32 $0x0;
	vm1 =	vmand vm1, vm0;
	v2 =	vsel vm4, $0x2, v2;
	vm2 =	vgt.f32 v4, v1  }
0x2e: {  	s12 =	sand.u32 $0xFFFFFF00, s31;
	v2 =	vsel vm5, $0x3, v2;
	v3 =	vsel vm1, $0xBF800000, v8;
	v4 =	vsel vm2, v4, v1  }
0x2f: {  	s14 =	sor.u32 s11, s12;
	v2 =	vsel vm6, $0x4, v2;
	v1 =	vsel vm0, v6, v9;
	vm1 =	vgt.f32 v3, v4  }
0x30: {  	v5 =	vsel vm2, $0x5, v2;
	[tilespmem:s14+$0x2000] =	vst v1;
	v1 =	vnsel vm0, $0xBF800000, v9;
	v2 =	vsel vm1, v3, v4  }
0x31: {  	s15 =	simm.s32 $0x2;
	s11 =	simm.s32 $0x1;
	s12 =	simm.s32 $0x0;
	[tilespmem:s14+$0x2800] =	vst v10;
	v3 =	vsel vm1, $0x6, v5;
	vm0 =	vgt.f32 v1, v2  }
.LBB2_2:
0x32: {  	s16 =	sshll.u32 s11, $0x7  }
0x33: {  	v1 =	vsel vm0, v1, v2;
	v2 =	vsel vm0, $0x7, v3;
	s12 =	sadd.s32 $0x10, s12;
	s17 =	smov.u32 s15;
	s13 =	sadd.s32 $0x1, s15  }
0x34: {  	p0 =	sne.s32 s15, $0x3F;
	s15 =	sand.u32 $0x70, s12;
	s16 =	sand.u32 $0x3FFFFC00, s16;
	[tilespmem:s14+$0x2080] =	vst v1  }
0x35: {  	s16 =	sor.u32 s15, s16;
	[tilespmem:s14+$0x2880] =	vst v2  }
0x36: {  	v1 =	vld [tilespmem:s16+$0x0]  }
0x37: {  	v2 =	vld [tilespmem:s16+$0x80];
	_ =	sdelay $0x1  }
0x38: {  	v3 =	vld [tilespmem:s16+$0x100];
	_ =	sdelay $0x1  }
0x39: {  	v4 =	vld [tilespmem:s16+$0x180]  }
0x3a: {  	vm0 =	vgt.f32 v2, v1  }
0x3b: {  	v5 =	vld [tilespmem:s16+$0x200];
	v6 =	vsel vm0, v2, v1  }
0x3c: {  	vm1 =	vgt.f32 v3, v6  }
0x3d: {  	v7 =	vld [tilespmem:s16+$0x280];
	v6 =	vsel vm1, v3, v6  }
0x3e: {  	vm2 =	vgt.f32 v4, v6  }
0x3f: {  	v8 =	vld [tilespmem:s16+$0x300];
	v6 =	vsel vm2, v4, v6  }
0x40: {  	vm3 =	vgt.f32 v5, v6  }
0x41: {  	v10 =	vsel vm0, $0x1, v0;
	v9 =	vld [tilespmem:s16+$0x380];
	v6 =	vsel vm3, v5, v6  }
0x42: {  	v10 =	vsel vm1, $0x2, v10;
	vm0 =	vgt.f32 v7, v6  }
0x43: {  	v10 =	vsel vm2, $0x3, v10;
	v6 =	vsel vm0, v7, v6  }
0x44: {  	v10 =	vsel vm3, $0x4, v10;
	vm1 =	vgt.f32 v8, v6  }
0x45: {  	v10 =	vsel vm0, $0x5, v10;
	v6 =	vsel vm1, v8, v6  }
0x46: {  	s14 =	sshll.u32 s11, $0x5;
	s11 =	smov.u32 s17;
	v10 =	vsel vm1, $0x6, v10;
	vm0 =	vgt.f32 v9, v6  }
0x47: {  	s14 =	sand.u32 $0xFFFFFF00, s14;
	vm0 =	vmneg vm0  }
0x48: {  	s14 =	sor.u32 s15, s14;
	v6 =	vsel vm0, v6, v9;
	v10 =	vnsel vm0, $0x7, v10;
	vm1 =	vmand vm1, vm0  }
0x49: {  	vm2 =	veq.s32 v10, $0x0;
	vm3 =	veq.s32 v10, $0x1;
	vm4 =	veq.s32 v10, $0x2;
	[tilespmem:s14+$0x2000] =	vst v6  }
0x4a: {  	v1 =	vsel vm2, $0xBF800000, v1;
	v2 =	vsel vm3, $0xBF800000, v2;
	vm2 =	veq.s32 v10, $0x3;
	[tilespmem:s14+$0x2800] =	vst v10  }
0x4b: {  	v3 =	vsel vm4, $0xBF800000, v3;
	vm4 =	veq.s32 v10, $0x4;
	vm3 =	vgt.f32 v2, v1  }
0x4c: {  	vm5 =	veq.s32 v10, $0x5;
	v1 =	vsel vm3, v2, v1  }
0x4d: {  	v2 =	vsel vm2, $0xBF800000, v4;
	vm6 =	vgt.f32 v3, v1  }
0x4e: {  	v1 =	vsel vm6, v3, v1  }
0x4f: {  	v3 =	vsel vm4, $0xBF800000, v5;
	vm2 =	vgt.f32 v2, v1  }
0x50: {  	v1 =	vsel vm2, v2, v1  }
0x51: {  	v4 =	vsel vm5, $0xBF800000, v7;
	v2 =	vsel vm3, $0x1, v0;
	vm3 =	vgt.f32 v3, v1  }
0x52: {  	v2 =	vsel vm6, $0x2, v2;
	v1 =	vsel vm3, v3, v1  }
.Ltmp0:
0x53: {  	v2 =	vsel vm2, $0x3, v2;
	v3 =	vsel vm1, $0xBF800000, v8;
	vm2 =	vgt.f32 v4, v1;
	(pc) =	sbr.rel @p0 .LBB2_2-.Ltmp0, $4  }
0x54: {  	v2 =	vsel vm3, $0x4, v2;
	v4 =	vsel vm2, v4, v1  }
0x55: {  	v5 =	vsel vm2, $0x5, v2;
	v1 =	vnsel vm0, $0xBF800000, v9;
	vm1 =	vgt.f32 v3, v4  }
0x56: {  	v2 =	vsel vm1, v3, v4;
	v3 =	vsel vm1, $0x6, v5  }
0x57: {  	s15 =	smov.u32 s13;
	vm0 =	vgt.f32 v1, v2  }
0x58: {  	s13 =	sshll.u32 s11, $0x7;
	v1 =	vsel vm0, v1, v2;
	s12 =	sadd.s32 $0x10, s12  }
0x59: {  	v2 =	vsel vm0, $0x7, v3;
	s12 =	sand.u32 $0x70, s12;
	s13 =	sand.u32 $0x3FFFFC00, s13;
	[tilespmem:s14+$0x2080] =	vst v1  }
0x5a: {  	[tilespmem:s14+$0x2880] =	vst v2;
	s13 =	sor.u32 s12, s13  }
0x5b: {  	v1 =	vld [tilespmem:s13+$0x0]  }
0x5c: {  	v2 =	vld [tilespmem:s13+$0x80];
	_ =	sdelay $0x1  }
0x5d: {  	v3 =	vld [tilespmem:s13+$0x100];
	_ =	sdelay $0x1  }
0x5e: {  	v4 =	vld [tilespmem:s13+$0x180]  }
0x5f: {  	vm7 =	vgt.f32 v2, v1  }
0x60: {  	v5 =	vld [tilespmem:s13+$0x200];
	v6 =	vsel vm7, v2, v1  }
0x61: {  	vm1 =	vgt.f32 v3, v6  }
0x62: {  	v7 =	vld [tilespmem:s13+$0x280];
	v6 =	vsel vm1, v3, v6  }
0x63: {  	vm2 =	vgt.f32 v4, v6  }
0x64: {  	v8 =	vld [tilespmem:s13+$0x300];
	v6 =	vsel vm2, v4, v6  }
0x65: {  	vm3 =	vgt.f32 v5, v6  }
0x66: {  	v9 =	vld [tilespmem:s13+$0x380];
	v6 =	vsel vm3, v5, v6  }
0x67: {  	v10 =	vsel vm7, $0x1, v0;
	vm8 =	vgt.f32 v7, v6  }
0x68: {  	v10 =	vsel vm1, $0x2, v10;
	v6 =	vsel vm8, v7, v6  }
0x69: {  	v10 =	vsel vm2, $0x3, v10;
	vm1 =	vgt.f32 v8, v6  }
0x6a: {  	v10 =	vsel vm3, $0x4, v10;
	v6 =	vsel vm1, v8, v6  }
0x6b: {  	v10 =	vsel vm8, $0x5, v10;
	vm9 =	vgt.f32 v9, v6  }
0x6c: {  	v10 =	vsel vm1, $0x6, v10;
	vm0 =	vmneg vm9  }
0x6d: {  	v10 =	vnsel vm0, $0x7, v10  }
0x6e: {  	vm10 =	veq.s32 v10, $0x0;
	vm11 =	veq.s32 v10, $0x1  }
0x6f: {  	v1 =	vsel vm10, $0xBF800000, v1;
	v2 =	vsel vm11, $0xBF800000, v2  }
0x70: {  	vm12 =	veq.s32 v10, $0x2;
	vm3 =	vgt.f32 v2, v1  }
0x71: {  	v3 =	vsel vm12, $0xBF800000, v3;
	v1 =	vsel vm3, v2, v1  }
0x72: {  	vm13 =	veq.s32 v10, $0x3;
	vm4 =	vgt.f32 v3, v1  }
0x73: {  	v2 =	vsel vm13, $0xBF800000, v4;
	v1 =	vsel vm4, v3, v1  }
0x74: {  	vm14 =	veq.s32 v10, $0x4;
	vm5 =	vgt.f32 v2, v1  }
0x75: {  	v3 =	vsel vm14, $0xBF800000, v5;
	v1 =	vsel vm5, v2, v1  }
0x76: {  	vm15 =	veq.s32 v10, $0x5;
	vm6 =	vgt.f32 v3, v1  }
0x77: {  	v2 =	vsel vm15, $0xBF800000, v7;
	v1 =	vsel vm6, v3, v1  }
0x78: {  	vm1 =	vmand vm1, vm0;
	v3 =	vsel vm3, $0x1, v0;
	vm2 =	vgt.f32 v2, v1  }
0x79: {  	s31 =	sshll.u32 s11, $0x5;
	v62 =	vsel vm1, $0xBF800000, v8;
	v3 =	vsel vm4, $0x2, v3;
	v1 =	vsel vm2, v2, v1  }
0x7a: {  	s11 =	sand.u32 $0xFFFFFF00, s31;
	v63 =	vnsel vm0, $0xBF800000, v9;
	v3 =	vsel vm5, $0x3, v3;
	vm1 =	vgt.f32 v62, v1  }
0x7b: {  	s11 =	sor.u32 s12, s11;
	v2 =	vsel vm0, v6, v9;
	v3 =	vsel vm6, $0x4, v3;
	v1 =	vsel vm1, v62, v1  }
0x7c: {  	[tilespmem:s11+$0x2000] =	vst v2;
	v2 =	vsel vm2, $0x5, v3;
	vm0 =	vgt.f32 v63, v1  }
0x7d: {  	[tilespmem:s11+$0x2800] =	vst v10;
	v2 =	vsel vm1, $0x6, v2;
	v1 =	vsel vm0, v63, v1  }
0x7e: {  	v2 =	vsel vm0, $0x7, v2;
	[tilespmem:s11+$0x2080] =	vst v1  }
0x7f: {  	[tilespmem:s11+$0x2880] =	vst v2  }
0x80: {  	[hbm4b:s4+s2] =	stream.linear.scatter [tilespmem:s8], [sflag:$0x1], $0x800, $0x38;
	[tilespmem:$0x3000] =	vst v63  }
0x81: {  	s10 =	sadd.s32 $0x1, s10;
	_ =	swait.ge [sflag:s7], $0x800  }
0x82: {  	p0 =	sne.s32 s10, s6;
	[sflag:s7] =	ssyncset.done $0x0  }
.Ltmp1:
0x83: {  	[sflag:s7] =	ssyncadd.s32 $0xFFFFF800;
	(pc) =	sbr.rel @p0 .LBB2_1-.Ltmp1, $4  }
0x84: {  	[hbm4b:s5+s2] =	stream.linear.scatter [tilespmem:s9], [sflag:$0x1], $0x800, $0x38;
	[tilespmem:$0x3000] =	vst v63  }
0x85: {  	_ =	swait.ge [sflag:s7], $0x800  }
0x86: {  	[sflag:s7] =	ssyncset.done $0x0  }
0x87: {  	[sflag:s7] =	ssyncadd.s32 $0xFFFFF800  }
0x88: {  	_ =	sfence.sel $0x180000  }
0x89: {  	[bflag:$0x0] =	sbarrier.arrive $0xFFFF  }
0x8a: {  	p0 =	sne.s32 s1, $0x0;
	_ =	strace $0x90000047  }
0x8b: {  	s0 =	sadd.s32 @!p0 $0x100000, s0;
	[bflag:$0x2] =	sbarrier.arrive $0xFFFF  }
0x8c: {  	[sflag:s0] =	ssyncadd.tile.s32 @!p0 $0x1;
	_ =	shalt  }
.Lfunc_end2:
_tile_overlayer_lowered:
.L_overlay_start_2:
0x8d: {  	(tag) =	ssettag $0x2  }
0x8e: {  	s0 =	rddreg [dreg:$0x0];
	s2 =	stileid.u32  }
0x8f: {  	s1 =	rddreg [dreg:$0x1];
	p0 =	sne.s32 s2, $0x0  }
0x90: {  	s3 =	rddreg [dreg:$0x2];
	[bflag:$0x3] =	sbarrier.arrive $0xFFFF;
	s2 =	simm.s32 @!p0 $0x1C01  }
0x91: {  	[timem:s3], [sflag:s2] =	dma.local @!p0 [hbm:s0], s1  }
0x92: {  	s0 =	simm.s32 @!p0 $0x1  }
0x93: {  	_ =	swait.ge @!p0 [sflag:s0], s1  }
0x94: {  	s1 =	ssub.s32 @!p0 $0x0, s1;
	[sflag:s0] =	ssyncset.done @!p0 $0x0  }
0x95: {  	[sflag:s0] =	ssyncadd.s32 @!p0 s1  }
0x96: {  	[bflag:$0x3] =	sbarrier.arrive $0xFFFF  }
0x97: {  	_ =	shalt  }

</sc_bundles>
